<compile_context>
chip_gen: v7x
topology: tpu7x:2x2x1
jax: 0.10.2.dev20260603
libtpu: 0.0.44.dev20260713+nightly
codegen_flags: <defaults>
</compile_context>

<pallas_src>
import functools

import jax
import jax.numpy as jnp
from jax import lax
from jax.experimental import pallas as pl
from jax.experimental.pallas import tpu as pltpu
from jax.experimental.pallas import tpu_sc as plsc

_LANES = 16
_NC = 2
_NS = 16
_NW = _NC * _NS


@functools.lru_cache(maxsize=None)
def _make_count_kernel(n_edges: int, n_nodes: int, nc: int = _NC):
    nw = nc * _NS
    assert n_edges % nw == 0
    ep = n_edges // nw
    rows = (n_nodes + 127) // 128
    rows = ((rows + 7) // 8) * 8
    n_zero_iters = rows * 8
    n_scatter_iters = ep // _LANES

    mesh = plsc.VectorSubcoreMesh(
        core_axis_name="c", subcore_axis_name="s", num_cores=nc)

    @functools.partial(
        pl.kernel,
        out_type=jax.ShapeDtypeStruct((nc, rows, 128), jnp.float32),
        mesh=mesh,
        compiler_params=pltpu.CompilerParams(needs_layout_passes=False),
        scratch_types=[
            pltpu.VMEM((ep,), jnp.int32),
            pltpu.VMEM((rows, 128), jnp.float32),
            pltpu.VMEM((rows,), jnp.int32),
            pltpu.VMEM_SHARED((rows, 128), jnp.float32),
            pltpu.SemaphoreType.DMA,
        ],
    )
    def count_kernel(edge_index_hbm, out_hbm, idx_v, loc_v, rid_v, acc_sh, sem):
        cid = lax.axis_index("c")
        sid = lax.axis_index("s")
        wid = cid * _NS + sid

        cp = pltpu.async_copy(
            edge_index_hbm.at[pl.ds(n_edges + wid * ep, ep)], idx_v, sem)

        lane_iota = lax.iota(jnp.int32, _LANES)
        zeros16 = jnp.zeros((_LANES,), jnp.float32)
        ones16 = jnp.ones((_LANES,), jnp.float32)

        def zero_body(i, carry):
            flat = lane_iota + i * _LANES
            plsc.store_scatter(
                loc_v,
                [lax.shift_right_logical(flat, 7), lax.bitwise_and(flat, 127)],
                zeros16,
            )
            return carry

        lax.fori_loop(0, n_zero_iters, zero_body, 0, unroll=8)

        for j in range(rows // _LANES):
            rid_v[pl.ds(j * _LANES, _LANES)] = lane_iota + j * _LANES

        @pl.when(sid == 0)
        def _():
            pltpu.sync_copy(loc_v, acc_sh)

        cp.wait()
        plsc.subcore_barrier()

        def scat_body(i, carry):
            d = idx_v[pl.ds(i * _LANES, _LANES)]
            plsc.store_scatter(
                loc_v,
                [lax.shift_right_logical(d, 7), lax.bitwise_and(d, 127)],
                ones16,
            )
            return carry

        lax.fori_loop(0, n_scatter_iters, scat_body, 0, unroll=8)

        pltpu.sync_copy(loc_v, acc_sh.at[rid_v], add=True)
        plsc.subcore_barrier()

        @pl.when(sid == 0)
        def _():
            pltpu.sync_copy(acc_sh, out_hbm.at[cid])

    return count_kernel


def _tc_body(x_ref, w_ref, b_ref, c_ref, o_ref):
    xw = jnp.dot(x_ref[...], w_ref[...], preferred_element_type=jnp.float32)
    mask = (jnp.sum(c_ref[...], axis=0) > 0.0).astype(jnp.float32)
    o_ref[...] = (xw + b_ref[...]) * mask


@functools.lru_cache(maxsize=None)
def _make_tc_kernel(n: int, d_in: int, d_out: int, n_pad: int, nc: int):
    blk = 5000
    assert n % blk == 0
    return pl.pallas_call(
        _tc_body,
        grid=(n // blk,),
        in_specs=[
            pl.BlockSpec((blk, d_in), lambda i: (i, 0)),
            pl.BlockSpec((d_in, d_out), lambda i: (0, 0)),
            pl.BlockSpec((1, d_out), lambda i: (0, 0)),
            pl.BlockSpec((nc, blk, 1), lambda i: (0, i, 0)),
        ],
        out_specs=pl.BlockSpec((blk, d_out), lambda i: (i, 0)),
        out_shape=jax.ShapeDtypeStruct((n, d_out), jnp.float32),
    )


def kernel(node_feats, edge_feats, edge_index, Wq, bq, Wk, bk, Wv, bv, We, be,
           a_w, a_b):
    n, d_in = node_feats.shape
    d_out = Wv.shape[1]
    n_edges = edge_index.shape[1]

    nc = 1
    counts = _make_count_kernel(n_edges, n, nc)(
        edge_index.astype(jnp.int32).reshape(-1))
    n_pad = counts.shape[1] * counts.shape[2]
    counts = counts.reshape(nc, n_pad, 1)

    return _make_tc_kernel(n, d_in, d_out, n_pad, nc)(
        node_feats, Wv, bv.reshape(1, d_out), counts)

# --- scband reference (transcript-rebuilt; emitter-appended) ---
"""Pipeline reference for scband-gatv2-layer-10411000726284 (READ-ONLY COPY).

The authoritative reference and input builder live on the scoring server;
editing this copy changes nothing except your own understanding.
"""

import jax, jax.numpy as jnp
import numpy as np

SLOPE = 0.2
N_NODES = 10000
N_EDGES = 320000
D_IN = 128
D_OUT = 128
D_EDGE = 16


def setup_inputs(seed: int = 0) -> dict:
    key = jax.random.key(seed)
    ks = jax.random.split(key, 16)
    node_feats = jax.random.normal(ks[0], (N_NODES, D_IN), dtype=jnp.float32)
    edge_feats = jax.random.normal(ks[1], (N_EDGES, D_EDGE), dtype=jnp.float32)
    edge_index = jax.random.randint(ks[2], (2, N_EDGES), 0, N_NODES, dtype=jnp.int64)
    s = 1.0 / np.sqrt(D_IN)
    Wq = jax.random.uniform(ks[3], (D_IN, D_OUT), jnp.float32, -s, s)
    bq = jax.random.uniform(ks[4], (D_OUT,), jnp.float32, -s, s)
    Wk = jax.random.uniform(ks[5], (D_IN, D_OUT), jnp.float32, -s, s)
    bk = jax.random.uniform(ks[6], (D_OUT,), jnp.float32, -s, s)
    Wv = jax.random.uniform(ks[7], (D_IN, D_OUT), jnp.float32, -s, s)
    bv = jax.random.uniform(ks[8], (D_OUT,), jnp.float32, -s, s)
    se = 1.0 / np.sqrt(D_EDGE)
    We = jax.random.uniform(ks[9], (D_EDGE, D_OUT), jnp.float32, -se, se)
    be = jax.random.uniform(ks[10], (D_OUT,), jnp.float32, -se, se)
    sa = 1.0 / np.sqrt(D_OUT)
    a_w = jax.random.uniform(ks[11], (D_OUT, 1), jnp.float32, -sa, sa)
    a_b = jax.random.uniform(ks[12], (1,), jnp.float32, -sa, sa)
    return {
        'node_feats': node_feats, 'edge_feats': edge_feats, 'edge_index': edge_index,
        'Wq': Wq, 'bq': bq, 'Wk': Wk, 'bk': bk, 'Wv': Wv, 'bv': bv,
        'We': We, 'be': be, 'a_w': a_w, 'a_b': a_b,
    }


def reference(node_feats, edge_feats, edge_index, Wq, bq, Wk, bk, Wv, bv, We, be, a_w, a_b):
    src = edge_index[0]
    dest = edge_index[1]
    n = node_feats.shape[0]
    Q = node_feats[src] @ Wq + bq
    K = node_feats[dest] @ Wk + bk
    V = node_feats[dest] @ Wv + bv
    bias = edge_feats @ We + be
    h = Q + K + bias
    act = jnp.where(h >= 0, h, SLOPE * h)
    scores = act @ a_w + a_b  # [E, 1]
    # scatter_softmax over dest groups
    seg_max = jax.ops.segment_max(scores, dest, num_segments=n)
    seg_max = jnp.where(jnp.isfinite(seg_max), seg_max, 0.0)
    ex = jnp.exp(scores - seg_max[dest])
    denom = jax.ops.segment_sum(ex, dest, num_segments=n)
    alpha = ex / denom[dest]
    node_hiddens = jax.ops.segment_sum(alpha * V, dest, num_segments=n)
    return node_hiddens

if __name__ == "__main__":
    import jax
    _d = setup_inputs()
    print(jax.jit(kernel)(*tuple(_d.values())))

</pallas_src>

<mosaic_0001>
#map = affine_map<(d0, d1) -> (0)>
#map1 = affine_map<(d0, d1) -> (0, 0, 0)>
module attributes {stable_mosaic.version = 14 : i64} {
  func.func @count_kernel(%arg0: i32, %arg1: i32, %arg2: memref<640000xi32, #tpu.memory_space<hbm>>, %arg3: memref<1x80x128xf32, #tpu.memory_space<hbm>>, %arg4: memref<20000xi32, #tpu.memory_space<vmem>>, %arg5: memref<80x128xf32, #tpu.memory_space<vmem>>, %arg6: memref<80xi32, #tpu.memory_space<vmem>>, %arg7: memref<80x128xf32, #tpu.memory_space<vmem_shared>>, %arg8: memref<!tpu.dma_semaphore, #tpu.memory_space<semaphore_mem>>) attributes {dimension_semantics = [#tpu.dimension_semantics<core_parallel>, #tpu.dimension_semantics<subcore_parallel>], iteration_bounds = array<i64: 1, 16>, scalar_prefetch = 0 : i64, scratch_operands = 5 : i64, tpu.core_type = #tpu.core_type<sc_vector_subcore>, window_params = [{transform_indices = #map}, {transform_indices = #map1}]} {
    %mul3A = arith.constant 16 : i32
    %mul3A_0 = arith.muli %arg0, %mul3A : i32
    %add3A = arith.addi %mul3A_0, %arg1 : i32
    %mul3A_1 = arith.constant 20000 : i32
    %mul3A_2 = arith.muli %add3A, %mul3A_1 : i32
    %add3A_3 = arith.constant 320000 : i32
    %add3A_4 = arith.addi %add3A_3, %mul3A_2 : i32
    %dma_start3A = tpu.memref_slice %arg2[%add3A_4] : memref<640000xi32, #tpu.memory_space<hbm>> -> memref<20000xi32, #tpu.memory_space<hbm>>
    %dma_start3A_5 = tpu.memref_slice %arg2[%add3A_4] : memref<640000xi32, #tpu.memory_space<hbm>> -> memref<20000xi32, #tpu.memory_space<hbm>>
    tpu.enqueue_dma source(%dma_start3A_5 : memref<20000xi32, #tpu.memory_space<hbm>>) target(%arg4 : memref<20000xi32, #tpu.memory_space<vmem>>) target_semaphore(%arg8 : memref<!tpu.dma_semaphore, #tpu.memory_space<semaphore_mem>>)
    %iota3A = tpu.iota {dimensions = array<i32: 0>} : vector<16xi32>
    %broadcast_in_dim3A = arith.constant 0.000000e+00 : f32
    %broadcast_in_dim3A_6 = vector.broadcast %broadcast_in_dim3A : f32 to vector<16xf32>
    %broadcast_in_dim3A_7 = arith.constant 1.000000e+00 : f32
    %broadcast_in_dim3A_8 = vector.broadcast %broadcast_in_dim3A_7 : f32 to vector<16xf32>
    %scan3A = arith.constant 0 : i32
    %scan3A_9 = arith.constant 0 : i32
    %scan3A_10 = arith.constant 640 : i32
    %scan3A_11 = arith.addi %scan3A_9, %scan3A_10 : i32
    %scan3A_12 = arith.constant 8 : i32
    scf.for %scan3A_74 = %scan3A_9 to %scan3A_11 step %scan3A_12  : i32 {
      %mul3A_75 = arith.constant 16 : i32
      %mul3A_76 = arith.muli %scan3A_74, %mul3A_75 : i32
      %add3A_77 = vector.broadcast %mul3A_76 : i32 to vector<16xi32>
      %add3A_78 = arith.addi %iota3A, %add3A_77 : vector<16xi32>
      %shift_right_logical3A_79 = arith.constant 7 : i32
      %shift_right_logical3A_80 = vector.broadcast %shift_right_logical3A_79 : i32 to vector<16xi32>
      %shift_right_logical3A_81 = arith.shrui %add3A_78, %shift_right_logical3A_80 : vector<16xi32>
      %and3A_82 = arith.constant 127 : i32
      %and3A_83 = vector.broadcast %and3A_82 : i32 to vector<16xi32>
      %and3A_84 = arith.andi %add3A_78, %and3A_83 : vector<16xi32>
      tpu.vector_store_idx %arg5[%shift_right_logical3A_81, %and3A_84], %broadcast_in_dim3A_6 : memref<80x128xf32, #tpu.memory_space<vmem>>[vector<16xi32>, vector<16xi32>], vector<16xf32>,
      %scan3A_85 = arith.constant 1 : i32
      %scan3A_86 = arith.addi %scan3A_74, %scan3A_85 : i32
      %mul3A_87 = arith.constant 16 : i32
      %mul3A_88 = arith.muli %scan3A_86, %mul3A_87 : i32
      %add3A_89 = vector.broadcast %mul3A_88 : i32 to vector<16xi32>
      %add3A_90 = arith.addi %iota3A, %add3A_89 : vector<16xi32>
      %shift_right_logical3A_91 = arith.constant 7 : i32
      %shift_right_logical3A_92 = vector.broadcast %shift_right_logical3A_91 : i32 to vector<16xi32>
      %shift_right_logical3A_93 = arith.shrui %add3A_90, %shift_right_logical3A_92 : vector<16xi32>
      %and3A_94 = arith.constant 127 : i32
      %and3A_95 = vector.broadcast %and3A_94 : i32 to vector<16xi32>
      %and3A_96 = arith.andi %add3A_90, %and3A_95 : vector<16xi32>
      tpu.vector_store_idx %arg5[%shift_right_logical3A_93, %and3A_96], %broadcast_in_dim3A_6 : memref<80x128xf32, #tpu.memory_space<vmem>>[vector<16xi32>, vector<16xi32>], vector<16xf32>,
      %scan3A_97 = arith.constant 2 : i32
      %scan3A_98 = arith.addi %scan3A_74, %scan3A_97 : i32
      %mul3A_99 = arith.constant 16 : i32
      %mul3A_100 = arith.muli %scan3A_98, %mul3A_99 : i32
      %add3A_101 = vector.broadcast %mul3A_100 : i32 to vector<16xi32>
      %add3A_102 = arith.addi %iota3A, %add3A_101 : vector<16xi32>
      %shift_right_logical3A_103 = arith.constant 7 : i32
      %shift_right_logical3A_104 = vector.broadcast %shift_right_logical3A_103 : i32 to vector<16xi32>
      %shift_right_logical3A_105 = arith.shrui %add3A_102, %shift_right_logical3A_104 : vector<16xi32>
      %and3A_106 = arith.constant 127 : i32
      %and3A_107 = vector.broadcast %and3A_106 : i32 to vector<16xi32>
      %and3A_108 = arith.andi %add3A_102, %and3A_107 : vector<16xi32>
      tpu.vector_store_idx %arg5[%shift_right_logical3A_105, %and3A_108], %broadcast_in_dim3A_6 : memref<80x128xf32, #tpu.memory_space<vmem>>[vector<16xi32>, vector<16xi32>], vector<16xf32>,
      %scan3A_109 = arith.constant 3 : i32
      %scan3A_110 = arith.addi %scan3A_74, %scan3A_109 : i32
      %mul3A_111 = arith.constant 16 : i32
      %mul3A_112 = arith.muli %scan3A_110, %mul3A_111 : i32
      %add3A_113 = vector.broadcast %mul3A_112 : i32 to vector<16xi32>
      %add3A_114 = arith.addi %iota3A, %add3A_113 : vector<16xi32>
      %shift_right_logical3A_115 = arith.constant 7 : i32
      %shift_right_logical3A_116 = vector.broadcast %shift_right_logical3A_115 : i32 to vector<16xi32>
      %shift_right_logical3A_117 = arith.shrui %add3A_114, %shift_right_logical3A_116 : vector<16xi32>
      %and3A_118 = arith.constant 127 : i32
      %and3A_119 = vector.broadcast %and3A_118 : i32 to vector<16xi32>
      %and3A_120 = arith.andi %add3A_114, %and3A_119 : vector<16xi32>
      tpu.vector_store_idx %arg5[%shift_right_logical3A_117, %and3A_120], %broadcast_in_dim3A_6 : memref<80x128xf32, #tpu.memory_space<vmem>>[vector<16xi32>, vector<16xi32>], vector<16xf32>,
      %scan3A_121 = arith.constant 4 : i32
      %scan3A_122 = arith.addi %scan3A_74, %scan3A_121 : i32
      %mul3A_123 = arith.constant 16 : i32
      %mul3A_124 = arith.muli %scan3A_122, %mul3A_123 : i32
      %add3A_125 = vector.broadcast %mul3A_124 : i32 to vector<16xi32>
      %add3A_126 = arith.addi %iota3A, %add3A_125 : vector<16xi32>
      %shift_right_logical3A_127 = arith.constant 7 : i32
      %shift_right_logical3A_128 = vector.broadcast %shift_right_logical3A_127 : i32 to vector<16xi32>
      %shift_right_logical3A_129 = arith.shrui %add3A_126, %shift_right_logical3A_128 : vector<16xi32>
      %and3A_130 = arith.constant 127 : i32
      %and3A_131 = vector.broadcast %and3A_130 : i32 to vector<16xi32>
      %and3A_132 = arith.andi %add3A_126, %and3A_131 : vector<16xi32>
      tpu.vector_store_idx %arg5[%shift_right_logical3A_129, %and3A_132], %broadcast_in_dim3A_6 : memref<80x128xf32, #tpu.memory_space<vmem>>[vector<16xi32>, vector<16xi32>], vector<16xf32>,
      %scan3A_133 = arith.constant 5 : i32
      %scan3A_134 = arith.addi %scan3A_74, %scan3A_133 : i32
      %mul3A_135 = arith.constant 16 : i32
      %mul3A_136 = arith.muli %scan3A_134, %mul3A_135 : i32
      %add3A_137 = vector.broadcast %mul3A_136 : i32 to vector<16xi32>
      %add3A_138 = arith.addi %iota3A, %add3A_137 : vector<16xi32>
      %shift_right_logical3A_139 = arith.constant 7 : i32
      %shift_right_logical3A_140 = vector.broadcast %shift_right_logical3A_139 : i32 to vector<16xi32>
      %shift_right_logical3A_141 = arith.shrui %add3A_138, %shift_right_logical3A_140 : vector<16xi32>
      %and3A_142 = arith.constant 127 : i32
      %and3A_143 = vector.broadcast %and3A_142 : i32 to vector<16xi32>
      %and3A_144 = arith.andi %add3A_138, %and3A_143 : vector<16xi32>
      tpu.vector_store_idx %arg5[%shift_right_logical3A_141, %and3A_144], %broadcast_in_dim3A_6 : memref<80x128xf32, #tpu.memory_space<vmem>>[vector<16xi32>, vector<16xi32>], vector<16xf32>,
      %scan3A_145 = arith.constant 6 : i32
      %scan3A_146 = arith.addi %scan3A_74, %scan3A_145 : i32
      %mul3A_147 = arith.constant 16 : i32
      %mul3A_148 = arith.muli %scan3A_146, %mul3A_147 : i32
      %add3A_149 = vector.broadcast %mul3A_148 : i32 to vector<16xi32>
      %add3A_150 = arith.addi %iota3A, %add3A_149 : vector<16xi32>
      %shift_right_logical3A_151 = arith.constant 7 : i32
      %shift_right_logical3A_152 = vector.broadcast %shift_right_logical3A_151 : i32 to vector<16xi32>
      %shift_right_logical3A_153 = arith.shrui %add3A_150, %shift_right_logical3A_152 : vector<16xi32>
      %and3A_154 = arith.constant 127 : i32
      %and3A_155 = vector.broadcast %and3A_154 : i32 to vector<16xi32>
      %and3A_156 = arith.andi %add3A_150, %and3A_155 : vector<16xi32>
      tpu.vector_store_idx %arg5[%shift_right_logical3A_153, %and3A_156], %broadcast_in_dim3A_6 : memref<80x128xf32, #tpu.memory_space<vmem>>[vector<16xi32>, vector<16xi32>], vector<16xf32>,
      %scan3A_157 = arith.constant 7 : i32
      %scan3A_158 = arith.addi %scan3A_74, %scan3A_157 : i32
      %mul3A_159 = arith.constant 16 : i32
      %mul3A_160 = arith.muli %scan3A_158, %mul3A_159 : i32
      %add3A_161 = vector.broadcast %mul3A_160 : i32 to vector<16xi32>
      %add3A_162 = arith.addi %iota3A, %add3A_161 : vector<16xi32>
      %shift_right_logical3A_163 = arith.constant 7 : i32
      %shift_right_logical3A_164 = vector.broadcast %shift_right_logical3A_163 : i32 to vector<16xi32>
      %shift_right_logical3A_165 = arith.shrui %add3A_162, %shift_right_logical3A_164 : vector<16xi32>
      %and3A_166 = arith.constant 127 : i32
      %and3A_167 = vector.broadcast %and3A_166 : i32 to vector<16xi32>
      %and3A_168 = arith.andi %add3A_162, %and3A_167 : vector<16xi32>
      tpu.vector_store_idx %arg5[%shift_right_logical3A_165, %and3A_168], %broadcast_in_dim3A_6 : memref<80x128xf32, #tpu.memory_space<vmem>>[vector<16xi32>, vector<16xi32>], vector<16xf32>,
    }
    %scan3A_13 = arith.constant 640 : i32
    %add3A_14 = arith.constant 0 : i32
    %add3A_15 = vector.broadcast %add3A_14 : i32 to vector<16xi32>
    %add3A_16 = arith.addi %iota3A, %add3A_15 : vector<16xi32>
    %swap3A = arith.constant 0 : index
    %swap3A_17 = tpu.vector_load %arg6[%swap3A] {strides = array<i32>} : memref<80xi32, #tpu.memory_space<vmem>>, vector<16xi32>,
    tpu.vector_store %arg6[%swap3A], %add3A_16 {strides = array<i32>} : memref<80xi32, #tpu.memory_space<vmem>>, vector<16xi32>,
    %add3A_18 = arith.constant 16 : i32
    %add3A_19 = vector.broadcast %add3A_18 : i32 to vector<16xi32>
    %add3A_20 = arith.addi %iota3A, %add3A_19 : vector<16xi32>
    %swap3A_21 = arith.constant 16 : index
    %swap3A_22 = tpu.vector_load %arg6[%swap3A_21] {strides = array<i32>} : memref<80xi32, #tpu.memory_space<vmem>>, vector<16xi32>,
    tpu.vector_store %arg6[%swap3A_21], %add3A_20 {strides = array<i32>} : memref<80xi32, #tpu.memory_space<vmem>>, vector<16xi32>,
    %add3A_23 = arith.constant 32 : i32
    %add3A_24 = vector.broadcast %add3A_23 : i32 to vector<16xi32>
    %add3A_25 = arith.addi %iota3A, %add3A_24 : vector<16xi32>
    %swap3A_26 = arith.constant 32 : index
    %swap3A_27 = tpu.vector_load %arg6[%swap3A_26] {strides = array<i32>} : memref<80xi32, #tpu.memory_space<vmem>>, vector<16xi32>,
    tpu.vector_store %arg6[%swap3A_26], %add3A_25 {strides = array<i32>} : memref<80xi32, #tpu.memory_space<vmem>>, vector<16xi32>,
    %add3A_28 = arith.constant 48 : i32
    %add3A_29 = vector.broadcast %add3A_28 : i32 to vector<16xi32>
    %add3A_30 = arith.addi %iota3A, %add3A_29 : vector<16xi32>
    %swap3A_31 = arith.constant 48 : index
    %swap3A_32 = tpu.vector_load %arg6[%swap3A_31] {strides = array<i32>} : memref<80xi32, #tpu.memory_space<vmem>>, vector<16xi32>,
    tpu.vector_store %arg6[%swap3A_31], %add3A_30 {strides = array<i32>} : memref<80xi32, #tpu.memory_space<vmem>>, vector<16xi32>,
    %add3A_33 = arith.constant 64 : i32
    %add3A_34 = vector.broadcast %add3A_33 : i32 to vector<16xi32>
    %add3A_35 = arith.addi %iota3A, %add3A_34 : vector<16xi32>
    %swap3A_36 = arith.constant 64 : index
    %swap3A_37 = tpu.vector_load %arg6[%swap3A_36] {strides = array<i32>} : memref<80xi32, #tpu.memory_space<vmem>>, vector<16xi32>,
    tpu.vector_store %arg6[%swap3A_36], %add3A_35 {strides = array<i32>} : memref<80xi32, #tpu.memory_space<vmem>>, vector<16xi32>,
    %eq3A = arith.constant 0 : i32
    %eq3A_38 = arith.cmpi eq, %arg1, %eq3A : i32
    %convert_element_type3A = arith.extui %eq3A_38 : i1 to i32
    %cond3A = arith.constant 0 : i32
    %cond3A_39 = arith.cmpi ne, %convert_element_type3A, %cond3A : i32
    scf.if %cond3A_39 {
      "tpu.region"() ({
        %run_scoped3A = tpu.sem_alloc : memref<!tpu.dma_semaphore, #tpu.memory_space<semaphore_mem>>
        tpu.enqueue_dma source(%arg5 : memref<80x128xf32, #tpu.memory_space<vmem>>) target(%arg7 : memref<80x128xf32, #tpu.memory_space<vmem_shared>>) target_semaphore(%run_scoped3A : memref<!tpu.dma_semaphore, #tpu.memory_space<semaphore_mem>>)
        tpu.wait_dma2 semaphore(%run_scoped3A : memref<!tpu.dma_semaphore, #tpu.memory_space<semaphore_mem>>) src(%arg5 : memref<80x128xf32, #tpu.memory_space<vmem>>) dst(%arg7 : memref<80x128xf32, #tpu.memory_space<vmem_shared>>)
        tpu.yield
      }) : () -> ()
    } else {
    }
    %dma_wait3A = tpu.memref_slice %arg2[%add3A_4] : memref<640000xi32, #tpu.memory_space<hbm>> -> memref<20000xi32, #tpu.memory_space<hbm>>
    %dma_wait3A_40 = tpu.memref_slice %arg2[%add3A_4] : memref<640000xi32, #tpu.memory_space<hbm>> -> memref<20000xi32, #tpu.memory_space<hbm>>
    tpu.wait_dma2 semaphore(%arg8 : memref<!tpu.dma_semaphore, #tpu.memory_space<semaphore_mem>>) src(%dma_wait3A_40 : memref<20000xi32, #tpu.memory_space<hbm>>) dst(%arg4 : memref<20000xi32, #tpu.memory_space<vmem>>)
    %barrier3A = arith.constant 0 : index
    tpu.barrier barrier_id(%barrier3A)
    %scan3A_41 = arith.constant 0 : i32
    %scan3A_42 = arith.constant 0 : i32
    %scan3A_43 = arith.constant 1248 : i32
    %scan3A_44 = arith.addi %scan3A_42, %scan3A_43 : i32
    %scan3A_45 = arith.constant 8 : i32
    scf.for %scan3A_74 = %scan3A_42 to %scan3A_44 step %scan3A_45  : i32 {
      %mul3A_75 = arith.constant 16 : i32
      %mul3A_76 = arith.muli %scan3A_74, %mul3A_75 : i32
      %get3A_77 = arith.index_cast %mul3A_76 : i32 to index
      %get3A_78 = tpu.vector_load %arg4[%get3A_77] {strides = array<i32>} : memref<20000xi32, #tpu.memory_space<vmem>>, vector<16xi32>,
      %shift_right_logical3A_79 = arith.constant 7 : i32
      %shift_right_logical3A_80 = vector.broadcast %shift_right_logical3A_79 : i32 to vector<16xi32>
      %shift_right_logical3A_81 = arith.shrui %get3A_78, %shift_right_logical3A_80 : vector<16xi32>
      %and3A_82 = arith.constant 127 : i32
      %and3A_83 = vector.broadcast %and3A_82 : i32 to vector<16xi32>
      %and3A_84 = arith.andi %get3A_78, %and3A_83 : vector<16xi32>
      tpu.vector_store_idx %arg5[%shift_right_logical3A_81, %and3A_84], %broadcast_in_dim3A_8 : memref<80x128xf32, #tpu.memory_space<vmem>>[vector<16xi32>, vector<16xi32>], vector<16xf32>,
      %scan3A_85 = arith.constant 1 : i32
      %scan3A_86 = arith.addi %scan3A_74, %scan3A_85 : i32
      %mul3A_87 = arith.constant 16 : i32
      %mul3A_88 = arith.muli %scan3A_86, %mul3A_87 : i32
      %get3A_89 = arith.index_cast %mul3A_88 : i32 to index
      %get3A_90 = tpu.vector_load %arg4[%get3A_89] {strides = array<i32>} : memref<20000xi32, #tpu.memory_space<vmem>>, vector<16xi32>,
      %shift_right_logical3A_91 = arith.constant 7 : i32
      %shift_right_logical3A_92 = vector.broadcast %shift_right_logical3A_91 : i32 to vector<16xi32>
      %shift_right_logical3A_93 = arith.shrui %get3A_90, %shift_right_logical3A_92 : vector<16xi32>
      %and3A_94 = arith.constant 127 : i32
      %and3A_95 = vector.broadcast %and3A_94 : i32 to vector<16xi32>
      %and3A_96 = arith.andi %get3A_90, %and3A_95 : vector<16xi32>
      tpu.vector_store_idx %arg5[%shift_right_logical3A_93, %and3A_96], %broadcast_in_dim3A_8 : memref<80x128xf32, #tpu.memory_space<vmem>>[vector<16xi32>, vector<16xi32>], vector<16xf32>,
      %scan3A_97 = arith.constant 2 : i32
      %scan3A_98 = arith.addi %scan3A_74, %scan3A_97 : i32
      %mul3A_99 = arith.constant 16 : i32
      %mul3A_100 = arith.muli %scan3A_98, %mul3A_99 : i32
      %get3A_101 = arith.index_cast %mul3A_100 : i32 to index
      %get3A_102 = tpu.vector_load %arg4[%get3A_101] {strides = array<i32>} : memref<20000xi32, #tpu.memory_space<vmem>>, vector<16xi32>,
      %shift_right_logical3A_103 = arith.constant 7 : i32
      %shift_right_logical3A_104 = vector.broadcast %shift_right_logical3A_103 : i32 to vector<16xi32>
      %shift_right_logical3A_105 = arith.shrui %get3A_102, %shift_right_logical3A_104 : vector<16xi32>
      %and3A_106 = arith.constant 127 : i32
      %and3A_107 = vector.broadcast %and3A_106 : i32 to vector<16xi32>
      %and3A_108 = arith.andi %get3A_102, %and3A_107 : vector<16xi32>
      tpu.vector_store_idx %arg5[%shift_right_logical3A_105, %and3A_108], %broadcast_in_dim3A_8 : memref<80x128xf32, #tpu.memory_space<vmem>>[vector<16xi32>, vector<16xi32>], vector<16xf32>,
      %scan3A_109 = arith.constant 3 : i32
      %scan3A_110 = arith.addi %scan3A_74, %scan3A_109 : i32
      %mul3A_111 = arith.constant 16 : i32
      %mul3A_112 = arith.muli %scan3A_110, %mul3A_111 : i32
      %get3A_113 = arith.index_cast %mul3A_112 : i32 to index
      %get3A_114 = tpu.vector_load %arg4[%get3A_113] {strides = array<i32>} : memref<20000xi32, #tpu.memory_space<vmem>>, vector<16xi32>,
      %shift_right_logical3A_115 = arith.constant 7 : i32
      %shift_right_logical3A_116 = vector.broadcast %shift_right_logical3A_115 : i32 to vector<16xi32>
      %shift_right_logical3A_117 = arith.shrui %get3A_114, %shift_right_logical3A_116 : vector<16xi32>
      %and3A_118 = arith.constant 127 : i32
      %and3A_119 = vector.broadcast %and3A_118 : i32 to vector<16xi32>
      %and3A_120 = arith.andi %get3A_114, %and3A_119 : vector<16xi32>
      tpu.vector_store_idx %arg5[%shift_right_logical3A_117, %and3A_120], %broadcast_in_dim3A_8 : memref<80x128xf32, #tpu.memory_space<vmem>>[vector<16xi32>, vector<16xi32>], vector<16xf32>,
      %scan3A_121 = arith.constant 4 : i32
      %scan3A_122 = arith.addi %scan3A_74, %scan3A_121 : i32
      %mul3A_123 = arith.constant 16 : i32
      %mul3A_124 = arith.muli %scan3A_122, %mul3A_123 : i32
      %get3A_125 = arith.index_cast %mul3A_124 : i32 to index
      %get3A_126 = tpu.vector_load %arg4[%get3A_125] {strides = array<i32>} : memref<20000xi32, #tpu.memory_space<vmem>>, vector<16xi32>,
      %shift_right_logical3A_127 = arith.constant 7 : i32
      %shift_right_logical3A_128 = vector.broadcast %shift_right_logical3A_127 : i32 to vector<16xi32>
      %shift_right_logical3A_129 = arith.shrui %get3A_126, %shift_right_logical3A_128 : vector<16xi32>
      %and3A_130 = arith.constant 127 : i32
      %and3A_131 = vector.broadcast %and3A_130 : i32 to vector<16xi32>
      %and3A_132 = arith.andi %get3A_126, %and3A_131 : vector<16xi32>
      tpu.vector_store_idx %arg5[%shift_right_logical3A_129, %and3A_132], %broadcast_in_dim3A_8 : memref<80x128xf32, #tpu.memory_space<vmem>>[vector<16xi32>, vector<16xi32>], vector<16xf32>,
      %scan3A_133 = arith.constant 5 : i32
      %scan3A_134 = arith.addi %scan3A_74, %scan3A_133 : i32
      %mul3A_135 = arith.constant 16 : i32
      %mul3A_136 = arith.muli %scan3A_134, %mul3A_135 : i32
      %get3A_137 = arith.index_cast %mul3A_136 : i32 to index
      %get3A_138 = tpu.vector_load %arg4[%get3A_137] {strides = array<i32>} : memref<20000xi32, #tpu.memory_space<vmem>>, vector<16xi32>,
      %shift_right_logical3A_139 = arith.constant 7 : i32
      %shift_right_logical3A_140 = vector.broadcast %shift_right_logical3A_139 : i32 to vector<16xi32>
      %shift_right_logical3A_141 = arith.shrui %get3A_138, %shift_right_logical3A_140 : vector<16xi32>
      %and3A_142 = arith.constant 127 : i32
      %and3A_143 = vector.broadcast %and3A_142 : i32 to vector<16xi32>
      %and3A_144 = arith.andi %get3A_138, %and3A_143 : vector<16xi32>
      tpu.vector_store_idx %arg5[%shift_right_logical3A_141, %and3A_144], %broadcast_in_dim3A_8 : memref<80x128xf32, #tpu.memory_space<vmem>>[vector<16xi32>, vector<16xi32>], vector<16xf32>,
      %scan3A_145 = arith.constant 6 : i32
      %scan3A_146 = arith.addi %scan3A_74, %scan3A_145 : i32
      %mul3A_147 = arith.constant 16 : i32
      %mul3A_148 = arith.muli %scan3A_146, %mul3A_147 : i32
      %get3A_149 = arith.index_cast %mul3A_148 : i32 to index
      %get3A_150 = tpu.vector_load %arg4[%get3A_149] {strides = array<i32>} : memref<20000xi32, #tpu.memory_space<vmem>>, vector<16xi32>,
      %shift_right_logical3A_151 = arith.constant 7 : i32
      %shift_right_logical3A_152 = vector.broadcast %shift_right_logical3A_151 : i32 to vector<16xi32>
      %shift_right_logical3A_153 = arith.shrui %get3A_150, %shift_right_logical3A_152 : vector<16xi32>
      %and3A_154 = arith.constant 127 : i32
      %and3A_155 = vector.broadcast %and3A_154 : i32 to vector<16xi32>
      %and3A_156 = arith.andi %get3A_150, %and3A_155 : vector<16xi32>
      tpu.vector_store_idx %arg5[%shift_right_logical3A_153, %and3A_156], %broadcast_in_dim3A_8 : memref<80x128xf32, #tpu.memory_space<vmem>>[vector<16xi32>, vector<16xi32>], vector<16xf32>,
      %scan3A_157 = arith.constant 7 : i32
      %scan3A_158 = arith.addi %scan3A_74, %scan3A_157 : i32
      %mul3A_159 = arith.constant 16 : i32
      %mul3A_160 = arith.muli %scan3A_158, %mul3A_159 : i32
      %get3A_161 = arith.index_cast %mul3A_160 : i32 to index
      %get3A_162 = tpu.vector_load %arg4[%get3A_161] {strides = array<i32>} : memref<20000xi32, #tpu.memory_space<vmem>>, vector<16xi32>,
      %shift_right_logical3A_163 = arith.constant 7 : i32
      %shift_right_logical3A_164 = vector.broadcast %shift_right_logical3A_163 : i32 to vector<16xi32>
      %shift_right_logical3A_165 = arith.shrui %get3A_162, %shift_right_logical3A_164 : vector<16xi32>
      %and3A_166 = arith.constant 127 : i32
      %and3A_167 = vector.broadcast %and3A_166 : i32 to vector<16xi32>
      %and3A_168 = arith.andi %get3A_162, %and3A_167 : vector<16xi32>
      tpu.vector_store_idx %arg5[%shift_right_logical3A_165, %and3A_168], %broadcast_in_dim3A_8 : memref<80x128xf32, #tpu.memory_space<vmem>>[vector<16xi32>, vector<16xi32>], vector<16xf32>,
    }
    %scan3A_46 = arith.constant 1248 : i32
    %scan3A_47 = arith.addi %scan3A_42, %scan3A_46 : i32
    %mul3A_48 = arith.constant 16 : i32
    %mul3A_49 = arith.muli %scan3A_47, %mul3A_48 : i32
    %get3A = arith.index_cast %mul3A_49 : i32 to index
    %get3A_50 = tpu.vector_load %arg4[%get3A] {strides = array<i32>} : memref<20000xi32, #tpu.memory_space<vmem>>, vector<16xi32>,
    %shift_right_logical3A = arith.constant 7 : i32
    %shift_right_logical3A_51 = vector.broadcast %shift_right_logical3A : i32 to vector<16xi32>
    %shift_right_logical3A_52 = arith.shrui %get3A_50, %shift_right_logical3A_51 : vector<16xi32>
    %and3A = arith.constant 127 : i32
    %and3A_53 = vector.broadcast %and3A : i32 to vector<16xi32>
    %and3A_54 = arith.andi %get3A_50, %and3A_53 : vector<16xi32>
    tpu.vector_store_idx %arg5[%shift_right_logical3A_52, %and3A_54], %broadcast_in_dim3A_8 : memref<80x128xf32, #tpu.memory_space<vmem>>[vector<16xi32>, vector<16xi32>], vector<16xf32>,
    %scan3A_55 = arith.constant 1249 : i32
    %scan3A_56 = arith.addi %scan3A_42, %scan3A_55 : i32
    %mul3A_57 = arith.constant 16 : i32
    %mul3A_58 = arith.muli %scan3A_56, %mul3A_57 : i32
    %get3A_59 = arith.index_cast %mul3A_58 : i32 to index
    %get3A_60 = tpu.vector_load %arg4[%get3A_59] {strides = array<i32>} : memref<20000xi32, #tpu.memory_space<vmem>>, vector<16xi32>,
    %shift_right_logical3A_61 = arith.constant 7 : i32
    %shift_right_logical3A_62 = vector.broadcast %shift_right_logical3A_61 : i32 to vector<16xi32>
    %shift_right_logical3A_63 = arith.shrui %get3A_60, %shift_right_logical3A_62 : vector<16xi32>
    %and3A_64 = arith.constant 127 : i32
    %and3A_65 = vector.broadcast %and3A_64 : i32 to vector<16xi32>
    %and3A_66 = arith.andi %get3A_60, %and3A_65 : vector<16xi32>
    tpu.vector_store_idx %arg5[%shift_right_logical3A_63, %and3A_66], %broadcast_in_dim3A_8 : memref<80x128xf32, #tpu.memory_space<vmem>>[vector<16xi32>, vector<16xi32>], vector<16xf32>,
    %scan3A_67 = arith.constant 1250 : i32
    "tpu.region"() ({
      %run_scoped3A = tpu.sem_alloc : memref<!tpu.dma_semaphore, #tpu.memory_space<semaphore_mem>>
      %dma_start3A_74 = arith.constant 0 : i32
      %dma_start3A_75 = arith.constant 0 : i32
      %dma_start3A_76 = tpu.memref_slice %arg7[%dma_start3A_74, %dma_start3A_75] : memref<80x128xf32, #tpu.memory_space<vmem_shared>> -> memref<80x128xf32, #tpu.memory_space<vmem_shared>>
      tpu.enqueue_indirect_dma source(%arg5 : memref<80x128xf32, #tpu.memory_space<vmem>>) target(%dma_start3A_76 : memref<80x128xf32, #tpu.memory_space<vmem_shared>>) offsets(%arg6 : memref<80xi32, #tpu.memory_space<vmem>>) semaphore(%run_scoped3A : memref<!tpu.dma_semaphore, #tpu.memory_space<semaphore_mem>>) {add = true}
      %dma_wait3A_77 = arith.constant 0 : i32
      %dma_wait3A_78 = arith.constant 0 : i32
      %dma_wait3A_79 = tpu.memref_slice %arg7[%dma_wait3A_77, %dma_wait3A_78] : memref<80x128xf32, #tpu.memory_space<vmem_shared>> -> memref<80x128xf32, #tpu.memory_space<vmem_shared>>
      tpu.wait_indirect_dma semaphore(%run_scoped3A : memref<!tpu.dma_semaphore, #tpu.memory_space<semaphore_mem>>) src(%arg5 : memref<80x128xf32, #tpu.memory_space<vmem>>) dst(%dma_wait3A_79 : memref<80x128xf32, #tpu.memory_space<vmem_shared>>)
      tpu.yield
    }) : () -> ()
    %barrier3A_68 = arith.constant 0 : index
    tpu.barrier barrier_id(%barrier3A_68)
    %eq3A_69 = arith.constant 0 : i32
    %eq3A_70 = arith.cmpi eq, %arg1, %eq3A_69 : i32
    %convert_element_type3A_71 = arith.extui %eq3A_70 : i1 to i32
    %cond3A_72 = arith.constant 0 : i32
    %cond3A_73 = arith.cmpi ne, %convert_element_type3A_71, %cond3A_72 : i32
    scf.if %cond3A_73 {
      "tpu.region"() ({
        %run_scoped3A = tpu.sem_alloc : memref<!tpu.dma_semaphore, #tpu.memory_space<semaphore_mem>>
        %dma_start3A_74 = arith.constant 0 : i32
        %dma_start3A_75 = arith.constant 0 : i32
        %dma_start3A_76 = tpu.memref_slice %arg3[%arg0, %dma_start3A_74, %dma_start3A_75] : memref<1x80x128xf32, #tpu.memory_space<hbm>> -> memref<1x80x128xf32, #tpu.memory_space<hbm>>
        %dma_start3A_77 = tpu.memref_squeeze %dma_start3A_76 : memref<1x80x128xf32, #tpu.memory_space<hbm>> -> memref<80x128xf32, #tpu.memory_space<hbm>>
        tpu.enqueue_dma source(%arg7 : memref<80x128xf32, #tpu.memory_space<vmem_shared>>) target(%dma_start3A_77 : memref<80x128xf32, #tpu.memory_space<hbm>>) target_semaphore(%run_scoped3A : memref<!tpu.dma_semaphore, #tpu.memory_space<semaphore_mem>>)
        %dma_wait3A_78 = arith.constant 0 : i32
        %dma_wait3A_79 = arith.constant 0 : i32
        %dma_wait3A_80 = tpu.memref_slice %arg3[%arg0, %dma_wait3A_78, %dma_wait3A_79] : memref<1x80x128xf32, #tpu.memory_space<hbm>> -> memref<1x80x128xf32, #tpu.memory_space<hbm>>
        %dma_wait3A_81 = tpu.memref_squeeze %dma_wait3A_80 : memref<1x80x128xf32, #tpu.memory_space<hbm>> -> memref<80x128xf32, #tpu.memory_space<hbm>>
        tpu.wait_dma2 semaphore(%run_scoped3A : memref<!tpu.dma_semaphore, #tpu.memory_space<semaphore_mem>>) src(%arg7 : memref<80x128xf32, #tpu.memory_space<vmem_shared>>) dst(%dma_wait3A_81 : memref<80x128xf32, #tpu.memory_space<hbm>>)
        tpu.yield
      }) : () -> ()
    } else {
    }
    return
  }
}

module attributes {stable_mosaic.version = 14 : i64} {
  func.func @_tc_body(%arg0: i32, %arg1: memref<5000x128xf32, #tpu.memory_space<vmem>>, %arg2: memref<128x128xf32, #tpu.memory_space<vmem>>, %arg3: memref<1x128xf32, #tpu.memory_space<vmem>>, %arg4: memref<1x5000x1xf32, #tpu.memory_space<vmem>>, %arg5: memref<5000x128xf32, #tpu.memory_space<vmem>>) attributes {dimension_semantics = [#tpu.dimension_semantics<arbitrary>], iteration_bounds = array<i64: 2>, scalar_prefetch = 0 : i64, scratch_operands = 0 : i64, tpu.core_type = #tpu.core_type<tc>, window_params = [{transform_indices = @transform_0, window_bounds = array<i64: 5000, 128>}, {pipeline_mode = #tpu.pipeline_mode<synchronous>, transform_indices = @transform_1, window_bounds = array<i64: 128, 128>}, {pipeline_mode = #tpu.pipeline_mode<synchronous>, transform_indices = @transform_2, window_bounds = array<i64: 1, 128>}, {transform_indices = @transform_3, window_bounds = array<i64: 1, 5000, 1>}, {transform_indices = @transform_4, window_bounds = array<i64: 5000, 128>}]} {
    %get3A = arith.constant 0 : index
    %get3A_0 = arith.constant 0 : index
    %get3A_1 = vector.load %arg1[%get3A, %get3A_0] : memref<5000x128xf32, #tpu.memory_space<vmem>>, vector<5000x128xf32>
    %get3A_2 = arith.constant 0 : index
    %get3A_3 = arith.constant 0 : index
    %get3A_4 = vector.load %arg2[%get3A_2, %get3A_3] : memref<128x128xf32, #tpu.memory_space<vmem>>, vector<128x128xf32>
    %dot_general3A = arith.constant dense<0.000000e+00> : vector<5000x128xf32>
    %dot_general3A_5 = tpu.matmul %get3A_1, %get3A_4, %dot_general3A {dimension_numbers = #tpu.dot_dimension_numbers<[1], [0], [0], [1], [0, 0, 1, 1], [], []>, transpose_lhs_hint = false} : vector<5000x128xf32>, vector<128x128xf32>, vector<5000x128xf32> -> vector<5000x128xf32>
    %get3A_6 = arith.constant 0 : index
    %get3A_7 = arith.constant 0 : index
    %get3A_8 = arith.constant 0 : index
    %get3A_9 = vector.load %arg4[%get3A_6, %get3A_7, %get3A_8] : memref<1x5000x1xf32, #tpu.memory_space<vmem>>, vector<1x5000x1xf32>
    %reduce_sum3A = arith.constant dense<0.000000e+00> : vector<5000x1xf32>
    %reduce_sum3A_10 = vector.multi_reduction <add>, %get3A_9, %reduce_sum3A [0] : vector<1x5000x1xf32> to vector<5000x1xf32>
    %gt3A = arith.constant 0.000000e+00 : f32
    %gt3A_11 = vector.broadcast %gt3A : f32 to vector<5000x1xf32>
    %gt3A_12 = arith.cmpf ogt, %reduce_sum3A_10, %gt3A_11 : vector<5000x1xf32>
    %convert_element_type3A = arith.extui %gt3A_12 : vector<5000x1xi1> to vector<5000x1xi32>
    %convert_element_type3A_13 = arith.sitofp %convert_element_type3A : vector<5000x1xi32> to vector<5000x1xf32>
    %get3A_14 = arith.constant 0 : index
    %get3A_15 = arith.constant 0 : index
    %get3A_16 = vector.load %arg3[%get3A_14, %get3A_15] : memref<1x128xf32, #tpu.memory_space<vmem>>, vector<1x128xf32>
    %add3A = vector.broadcast %get3A_16 : vector<1x128xf32> to vector<5000x128xf32>
    %add3A_17 = arith.addf %dot_general3A_5, %add3A : vector<5000x128xf32>
    %mul3A = vector.broadcast %convert_element_type3A_13 : vector<5000x1xf32> to vector<5000x128xf32>
    %mul3A_18 = arith.mulf %add3A_17, %mul3A : vector<5000x128xf32>
    %swap3A = arith.constant 0 : index
    %swap3A_19 = arith.constant 0 : index
    %swap3A_20 = vector.load %arg5[%swap3A, %swap3A_19] : memref<5000x128xf32, #tpu.memory_space<vmem>>, vector<5000x128xf32>
    tpu.vector_store %arg5[%swap3A, %swap3A_19], %mul3A_18 {strides = array<i32>} : memref<5000x128xf32, #tpu.memory_space<vmem>>, vector<5000x128xf32>,
    return
  }
  func.func @transform_0(%arg0: i32) -> (i32, i32) {
    %c0_i32 = arith.constant 0 : i32
    %c0_i32_0 = arith.constant 0 : i32
    return %arg0, %c0_i32 : i32, i32
  }
  func.func @transform_1(%arg0: i32) -> (i32, i32) {
    %c0_i32 = arith.constant 0 : i32
    %c0_i32_0 = arith.constant 0 : i32
    %c0_i32_1 = arith.constant 0 : i32
    return %c0_i32, %c0_i32_0 : i32, i32
  }
  func.func @transform_2(%arg0: i32) -> (i32, i32) {
    %c0_i32 = arith.constant 0 : i32
    %c0_i32_0 = arith.constant 0 : i32
    %c0_i32_1 = arith.constant 0 : i32
    return %c0_i32, %c0_i32_0 : i32, i32
  }
  func.func @transform_3(%arg0: i32) -> (i32, i32, i32) {
    %c0_i32 = arith.constant 0 : i32
    %c0_i32_0 = arith.constant 0 : i32
    %c0_i32_1 = arith.constant 0 : i32
    return %c0_i32, %arg0, %c0_i32_0 : i32, i32, i32
  }
  func.func @transform_4(%arg0: i32) -> (i32, i32) {
    %c0_i32 = arith.constant 0 : i32
    %c0_i32_0 = arith.constant 0 : i32
    return %arg0, %c0_i32 : i32, i32
  }
}

</mosaic_0001>

<sc_bundles>
// kernel: kernel.4.cloned.1.call-start
scs
__scs_entry_jumppad:
0x0: {  	(pc) =	sbr.rel $0x88, $3  }
0x1: {  	(tag) =	ssettag $0x0;
	lr =	simm.s32 $0x1  }
0x2: {  	[smem:$0x3F9D] =	sst lr;
	_ =	strace $0xD0000000  }
0x3: {  	_ = 	snop  }
0x4: {  	_ = 	snop  }
0x5: {  	_ = 	snop  }
0x6: {  	_ = 	snop  }
0x7: {  	_ = 	snop  }
__scs_overlays_trampoline_lowered:
0x8: {  	[smem:$0x3FAC] =	sst s0  }
0x9: {  	[smem:$0x3FAD] =	sst s1  }
0xa: {  	[smem:$0x3FAE] =	sst s2  }
0xb: {  	[smem:$0x3FAF] =	sst s3  }
0xc: {  	[smem:$0x3FB0] =	sst s4  }
0xd: {  	[smem:$0x3FB1] =	sst s5  }
0xe: {  	[smem:$0x3FB2] =	sst s6  }
0xf: {  	[smem:$0x3FB3] =	sst s7  }
0x10: {  	[smem:$0x3FB4] =	sst s8  }
0x11: {  	[smem:$0x3FB5] =	sst s9;
	s0 =	simm.s32 @!p0 $0x0  }
0x12: {  	s1 =	sld [smem:$0x3F9B];
	s0 =	simm.s32 @p0 $0x1  }
0x13: {  	[smem:$0x3FB6] =	sst s0;
	s0 =	simm.s32 @!p1 $0x0  }
0x14: {  	s2 =	sld [smem:$0x3F9A];
	s0 =	simm.s32 @p1 $0x1  }
0x15: {  	[smem:$0x3FB7] =	sst s0;
	s0 =	simm.s32 @!p2 $0x0  }
0x16: {  	s3 =	sld [smem:$0x3FDB];
	s0 =	simm.s32 @p2 $0x1  }
0x17: {  	s4 =	simm.s32 $0x1BF5;
	[smem:$0x3FB9] =	sst s0  }
0x18: {  	s0 =	sld [smem:$0x3F9C];
	_ =	swait.ge [sflag:s4], $0x0  }
0x19: {  	s7 =	sld [smem:$0x3F9D]  }
0x1a: {  	s8 =	sadd.s32 $0xFFFFE003, lr  }
0x1b: {  	s9 =	sadd.s32 $0xFFFFFEF7, lr;
	s5 =	simm.s32 $0xFFFFFFFF;
	p2 =	slt.u32 s8, $0xFFFFF086  }
0x1c: {  	p1 =	slt.u32 s9, $0xF7A;
	s5 =	simm.s32 @!p2 $0x0  }
0x1d: {  	s5 =	simm.s32 @p1 $0x1;
	p0 =	seq.s32 s7, s2  }
0x1e: {  	s7 =	smul.u32 @!p0 $0xF7A, s2;
	p2 =	seq.s32 @!p0 s5, $0x0  }
0x1f: {  	s9 =	smul.u32 $0xF7A, s1;
	s8 =	simm.s32 @!p0 $0x1BF5;
	p2 =	por !p2, p0  }
0x20: {  	[sflag:s8] =	ssyncset.s32 @!p0 $0xFFFFF086;
	s6 =	sadd.s32 @!p0 s3, s7;
	s7 =	simm.s32 @!p0 $0x108  }
0x21: {  	s3 =	sadd.s32 s3, s9;
	s6 =	sadd.s32 @!p0 $0x88, s6;
	s7 =	simm.s32 @p2 $0x1082  }
0x22: {  	[simem:s7], [sflag:s8] =	dma.local @!p0 [hbm:s6], $0xF7A  }
0x23: {  	s9 =	sor.u32 $0xD0000000, s2;
	s6 =	simm.s32 $0x108;
	_ =	swait.ge @!p0 [sflag:s8], $0x0  }
0x24: {  	s3 =	sadd.s32 $0x88, s3;
	s6 =	simm.s32 @!p1 $0x1082;
	[sflag:s4] =	ssyncset.s32 $0xFFFFF086  }
0x25: {  	[simem:s6], [sflag:s4] =	dma.local [hbm:s3], $0xF7A  }
0x26: {  	[smem:$0x3F9D] =	sst s1;
	(tag) =	ssettag s2;
	_ =	strace s9  }
0x27: {  	s1 =	sld [smem:$0x3FAD]  }
0x28: {  	s2 =	sld [smem:$0x3FAE]  }
0x29: {  	s4 =	sld [smem:$0x3FB0]  }
0x2a: {  	p0 =	seq.s32 s5, $0x0;
	s5 =	sld [smem:$0x3FB1]  }
0x2b: {  	s6 =	sld [smem:$0x3FB2]  }
0x2c: {  	s7 =	sld [smem:$0x3FB3]  }
0x2d: {  	s3 =	simm.s32 $0x108;
	s8 =	sld [smem:$0x3FB4]  }
0x2e: {  	s3 =	simm.s32 @!p0 $0x1082;
	s9 =	sld [smem:$0x3FB5]  }
0x2f: {  	lr =	sadd.s32 s0, s3;
	s0 =	sld [smem:$0x3FAC]  }
0x30: {  	s3 =	sld [smem:$0x3FAF]  }
0x31: {  	[smem:$0x3FB8] =	sst s10  }
0x32: {  	s10 =	sld [smem:$0x3FB6];
	_ =	sdelay $0x3  }
0x33: {  	p0 =	seq.s32 s10, $0x1;
	s10 =	sld [smem:$0x3FB8];
	_ =	sdelay $0x3  }
0x34: {  	[smem:$0x3FB8] =	sst s10  }
0x35: {  	s10 =	sld [smem:$0x3FB7];
	_ =	sdelay $0x3  }
0x36: {  	p1 =	seq.s32 s10, $0x1;
	s10 =	sld [smem:$0x3FB8];
	_ =	sdelay $0x3  }
0x37: {  	[smem:$0x3FB8] =	sst s10  }
0x38: {  	s10 =	sld [smem:$0x3FB9]  }
0x39: {  	_ = 	snop;
	(pc) =	sbr.ind lr, $3  }
0x3a: {  	_ = 	snop  }
0x3b: {  	_ = 	snop  }
0x3c: {  	p2 =	seq.s32 s10, $0x1;
	s10 =	sld [smem:$0x3FB8]  }
0x3d: {  	_ =	shalt  }
0x3e: {  	_ =	shalt  }
0x3f: {  	_ =	shalt  }
0x40: {  	_ =	shalt  }
0x41: {  	_ =	shalt  }
0x42: {  	_ =	shalt  }
0x43: {  	_ =	shalt  }
0x44: {  	_ =	shalt  }
0x45: {  	_ =	shalt  }
0x46: {  	_ =	shalt  }
0x47: {  	_ =	shalt  }
0x48: {  	_ =	shalt  }
0x49: {  	_ =	shalt  }
0x4a: {  	_ =	shalt  }
0x4b: {  	_ =	shalt  }
0x4c: {  	_ =	shalt  }
0x4d: {  	_ =	shalt  }
0x4e: {  	_ =	shalt  }
0x4f: {  	_ =	shalt  }
0x50: {  	_ =	shalt  }
0x51: {  	_ =	shalt  }
0x52: {  	_ =	shalt  }
0x53: {  	_ =	shalt  }
0x54: {  	_ =	shalt  }
0x55: {  	_ =	shalt  }
0x56: {  	_ =	shalt  }
0x57: {  	_ =	shalt  }
0x58: {  	_ =	shalt  }
0x59: {  	_ =	shalt  }
0x5a: {  	_ =	shalt  }
0x5b: {  	_ =	shalt  }
0x5c: {  	_ =	shalt  }
0x5d: {  	_ =	shalt  }
0x5e: {  	_ =	shalt  }
0x5f: {  	_ =	shalt  }
0x60: {  	_ =	shalt  }
0x61: {  	_ =	shalt  }
0x62: {  	_ =	shalt  }
0x63: {  	_ =	shalt  }
0x64: {  	_ =	shalt  }
0x65: {  	_ =	shalt  }
0x66: {  	_ =	shalt  }
0x67: {  	_ =	shalt  }
0x68: {  	_ =	shalt  }
0x69: {  	_ =	shalt  }
0x6a: {  	_ =	shalt  }
0x6b: {  	_ =	shalt  }
0x6c: {  	_ =	shalt  }
0x6d: {  	_ =	shalt  }
0x6e: {  	_ =	shalt  }
0x6f: {  	_ =	shalt  }
0x70: {  	_ =	shalt  }
0x71: {  	_ =	shalt  }
0x72: {  	_ =	shalt  }
0x73: {  	_ =	shalt  }
0x74: {  	_ =	shalt  }
0x75: {  	_ =	shalt  }
0x76: {  	_ =	shalt  }
0x77: {  	_ =	shalt  }
0x78: {  	_ =	shalt  }
0x79: {  	_ =	shalt  }
0x7a: {  	_ =	shalt  }
0x7b: {  	_ =	shalt  }
0x7c: {  	_ =	shalt  }
0x7d: {  	_ =	shalt  }
0x7e: {  	_ =	shalt  }
0x7f: {  	_ =	shalt  }
0x80: {  	_ =	shalt  }
0x81: {  	_ =	shalt  }
0x82: {  	_ =	shalt  }
0x83: {  	_ =	shalt  }
0x84: {  	_ =	shalt  }
0x85: {  	_ =	shalt  }
0x86: {  	_ =	shalt  }
0x87: {  	_ =	shalt  }
.Lfunc_end0:
.L_simem_size_0:
called_computation_lowered:
.L_overlay_start_0:
0x88: {  	s0 =	sld [smem:$0x3FD9]  }
0x89: {  	s1 =	sld [smem:$0x3FFE];
	_ =	sdelay $0x3  }
0x8a: {  	s0 =	sadd.s32 s1, s0  }
0x8b: {  	[smem:$0x3FC4] =	sst s0  }
0x8c: {  	_ = 	snop  }
0x8d: {  	s0 =	sld [smem:$0x3FD0];
	(tm) =	ssettm $0x1  }
0x8e: {  	s16 =	sld [smem:$0x3FFB];
	_ =	sdelay $0x3  }
0x8f: {  	_ =	strace s16  }
0x90: {  	s1 =	sld [smem:$0x3FFC];
	_ =	sdelay $0x3  }
0x91: {  	_ =	strace s1  }
0x92: {  	s1 =	sld [smem:$0x3FFD];
	_ =	sdelay $0x3  }
0x93: {  	_ =	strace s1  }
0x94: {  	_ =	strace $0x8FFFFFFF  }
0x95: {  	s17 =	sld [smem:$0x3FDB];
	_ =	sdelay $0x1  }
0x96: {  	s2 =	simm.s32 $_scs_section_size  }
0x97: {  	s3 =	simm.s32 $_size__tile_overlayer_lowered;
	s4 =	simm.s32 $_tile_overlayer_lowered  }
0x98: {  	s20 =	simm.s32 $0x1BFF;
	s19 =	sshll.u32 s4, $0x1;
	s1 =	sadd.s32 s2, s17  }
0x99: {  	s5 =	simm.s32 $0x0;
	s18 =	sshll.u32 s3, $0x1;
	s3 =	sadd.s32 s19, s1  }
0x9a: {  	[timem:s5], [sflag:s20] =	dma.local [hbm:s3], s18  }
0x9b: {  	_ =	swait.ge [sflag:s20], s18  }
0x9c: {  	s2 =	ssub.s32 $0x0, s18;
	[sflag:s20] =	ssyncset.done $0x0  }
0x9d: {  	[sflag:s20] =	ssyncadd.s32 s2;
	_ =	sdelay $0x1  }
0x9e: {  	s21 =	simm.s32 $0x1B8B  }
0x9f: {  	_ =	swait.ge [sflag:s21], $0x1  }
0xa0: {  	[sflag:s21] =	ssyncset.done $0x0  }
0xa1: {  	s23 =	simm.s32 $0x1B8E;
	s22 =	sld [smem:$0x3FFE];
	[sflag:s21] =	ssyncadd.s32 $0xFFFFFFFF  }
0xa2: {  	s24 =	simm.s32 $execute0_lowered;
	[smem:$0x3FD2] =	sst s23  }
0xa3: {  	s3 =	sshll.u32 s24, $0x1;
	_ =	strace $0x80000046;
	[dreg:$0x1] =	wrdreg $0xFFFFFFFF  }
0xa4: {  	s25 =	simm.s32 $_size_execute0_lowered;
	s1 =	sadd.s32 s1, s3;
	[dreg:$0x0] =	wrdreg $0x0  }
0xa5: {  	s3 =	sshll.u32 s25, $0x1;
	[dreg:$0x2] =	wrdreg s1  }
0xa6: {  	[dreg:$0x3] =	wrdreg s3  }
0xa7: {  	[dreg:$0x4] =	wrdreg $0xC0  }
0xa8: {  	_ =	task [dreg:s5], $0x5FFFF  }
0xa9: {  	[dreg:$0x1] =	wrdreg $0xFFFFFFFF  }
0xaa: {  	[dreg:$0x0] =	wrdreg $0x60  }
0xab: {  	[dreg:$0x2] =	wrdreg s0  }
0xac: {  	[dreg:$0x3] =	wrdreg s22  }
0xad: {  	[dreg:$0x4] =	wrdreg $0x77000  }
0xae: {  	[dreg:$0x5] =	wrdreg $0x9  }
0xaf: {  	_ =	task.clear_ibuf [dreg:s5], $0x6FFFF;
	_ =	strace $0x90000046  }
0xb0: {  	s26 =	simm.s32 $0x9;
	_ =	strace $0x80000048  }
0xb1: {  	_ =	swait.ge [sflag:s26], $0x1  }
0xb2: {  	[sflag:s26] =	ssyncadd.s32 $0xFFFFFFFF  }
0xb3: {  	_ =	strace $0x90000048  }
0xb4: {  	_ =	sfence  }
0xb5: {  	s28 =	sld [smem:$0x0];
	_ =	sdelay $0x1  }
0xb6: {  	s29 =	srdreg.scid  }
0xb7: {  	s30 =	sshll.u32 s29, $0xD;
	s31 =	sshrl.u32 s29, $0x2  }
0xb8: {  	s2 =	sand.u32 $0x4000, s30;
	s1 =	sand.u32 $0x1, s29;
	s0 =	sadd.s32 s31, s28  }
0xb9: {  	s1 =	sor.u32 s2, s1;
	s0 =	sshll.u32 s0, $0x11  }
0xba: {  	s0 =	sor.u32 s0, s1  }
0xbb: {  	s0 =	sadd.s32 $0x8F2B, s0  }
0xbc: {  	[sflag:s0] =	ssyncadd.remote.s32 $0x1  }
0xbd: {  	_ =	sfence.sel $0xFFFF  }
0xbe: {  	[dreg:$0x0] =	wrdreg $0xFFFFFFFF;
	(pc) =	sbr.abs _section_cstart, $3  }
0xbf: {  	[dreg:$0x1] =	wrdreg $0xFFFFFFFF  }
0xc0: {  	_ =	task.clear_ibuf [dreg:s5], $0x2FFFF;
	_ =	strace $0x9FFFFFFF  }
0xc1: {  	(tm) =	ssettm $0x7FFFFFFF  }
tec
execute0_lowered:
.L_overlay_start_1:
0x0: {  	(tag) =	ssettag $0x1  }
0x1: {  	s2 =	simm.s32 $0x0  }
0x2: {  	v0 =	vmov s2  }
0x3: {  	v0 =	vshrl.u32 v0, $0x7  }
0x4: {  	s4 =	rddreg [dreg:$0x0];
	s3 =	stileid.u32;
	v0 =	vshll.u32 v0, $0x7  }
0x5: {  	s5 =	rddreg [dreg:$0x1];
	s6 =	smul.u32 $0x4E20, s3;
	v10 =	vbroadcast v0, $0x0  }
0x6: {  	s1 =	rddreg [dreg:$0x2];
	v1 =	vlaneseq.u32  }
0x7: {  	s0 =	rddreg [dreg:$0x3];
	v2 =	vor.u32 $0x10, v1;
	s6 =	sshrl.u32 s6, $0x3;
	v7 =	vor.u32 v1, v10  }
0x8: {  	[smem:$0x7FF] =	sst s2;
	s4 =	sadd.s32 s4, s6;
	v8 =	vor.u32 v2, v10  }
0x9: {  	s31 =	simm.s32 $0x80;
	v3 =	vor.u32 $0x20, v1;
	_ =	strace $0x80000047;
	s4 =	sadd.s32 $0x9C40, s4  }
0xa: {  	v4 =	vor.u32 $0x30, v1;
	v5 =	vor.u32 $0x40, v1;
	[tilespmem:s2], [sflag:$0x1] =	stream.linear.gather [hbm4b:s4+s2], $0x4E20, $0x38;
	v11 =	vor.u32 v3, v10;
	[tilespmem:$0x7980] =	vst v63  }
0xb: {  	v9 =	vmov s31;
	v0 =	vimm.f32 $0.0e+00;
	v12 =	vor.u32 v4, v10;
	s4 =	simm.s32 $0x4E80  }
0xc: {  	v6 =	vor.u32 $0x50, v1;
	v9 =	vshrl.u32 v9, $0x7;
	v14 =	vor.u32 v5, v10;
	[tilespmem:v7+s4+$0x0] =	vst.idx.msk $0xffff, v0  }
0xd: {  	v9 =	vshll.u32 v9, $0x7;
	v16 =	vor.u32 v6, v10;
	[tilespmem:v8+s4+$0x0] =	vst.idx.msk $0xffff, v0;
	v8 =	vor.u32 $0x60, v1  }
0xe: {  	v9 =	vbroadcast v9, $0x0;
	v7 =	vor.u32 $0x70, v1;
	v13 =	vor.u32 v8, v10  }
0xf: {  	[tilespmem:v11+s4+$0x0] =	vst.idx.msk $0xffff, v0;
	v11 =	vor.u32 v7, v10  }
0x10: {  	[tilespmem:v12+s4+$0x0] =	vst.idx.msk $0xffff, v0;
	v12 =	vor.u32 v1, v9  }
0x11: {  	v15 =	vor.u32 v2, v9;
	[tilespmem:v14+s4+$0x0] =	vst.idx.msk $0xffff, v0  }
0x12: {  	s6 =	simm.s32 $0x100;
	s2 =	sadd.s32 $0x1000, s5;
	s5 =	simm.s32 $0x8;
	v10 =	vor.u32 v4, v9;
	v14 =	vor.u32 v3, v9;
	[tilespmem:v16+s4+$0x0] =	vst.idx.msk $0xffff, v0  }
.LBB2_1:
0x13: {  	v16 =	vmov s6;
	s5 =	sadd.s32 $0x8, s5;
	[tilespmem:v13+s4+$0x0] =	vst.idx.msk $0xffff, v0  }
0x14: {  	v13 =	vshrl.u32 v16, $0x7;
	p0 =	slt.u32 s5, $0x278;
	v16 =	vor.u32 v5, v9;
	[tilespmem:v11+s4+$0x0] =	vst.idx.msk $0xffff, v0  }
0x15: {  	v17 =	vor.u32 v6, v9;
	v11 =	vshll.u32 v13, $0x7;
	[tilespmem:v12+s4+$0x0] =	vst.idx.msk $0xffff, v0  }
.Ltmp0:
0x16: {  	v13 =	vor.u32 v8, v9;
	v18 =	vbroadcast v11, $0x0;
	[tilespmem:v15+s4+$0x0] =	vst.idx.msk $0xffff, v0;
	(pc) =	sbr.rel @p0 .LBB2_1-.Ltmp0, $4  }
0x17: {  	v11 =	vor.u32 v7, v9;
	[tilespmem:v14+s4+$0x0] =	vst.idx.msk $0xffff, v0  }
0x18: {  	v12 =	vor.u32 v1, v18;
	[tilespmem:v10+s4+$0x0] =	vst.idx.msk $0xffff, v0;
	v10 =	vor.u32 v4, v18;
	v9 =	vmov v18  }
0x19: {  	v15 =	vor.u32 v2, v9;
	[tilespmem:v16+s4+$0x0] =	vst.idx.msk $0xffff, v0  }
0x1a: {  	s6 =	sadd.s32 $0x80, s6;
	v14 =	vor.u32 v3, v9;
	[tilespmem:v17+s4+$0x0] =	vst.idx.msk $0xffff, v0  }
0x1b: {  	_ =	sdelay $0x3  }
0x1c: {  	[tilespmem:v13+s4+$0x0] =	vst.idx.msk $0xffff, v0  }
0x1d: {  	v1 =	vor.u32 v5, v9;
	[tilespmem:v11+s4+$0x0] =	vst.idx.msk $0xffff, v0  }
0x1e: {  	v2 =	vor.u32 v6, v9;
	[tilespmem:v12+s4+$0x0] =	vst.idx.msk $0xffff, v0  }
0x1f: {  	v3 =	vor.u32 v8, v9;
	[tilespmem:v15+s4+$0x0] =	vst.idx.msk $0xffff, v0  }
0x20: {  	v4 =	vor.u32 v7, v9;
	[tilespmem:v14+s4+$0x0] =	vst.idx.msk $0xffff, v0  }
0x21: {  	[tilespmem:v10+s4+$0x0] =	vst.idx.msk $0xffff, v0  }
0x22: {  	[tilespmem:v1+s4+$0x0] =	vst.idx.msk $0xffff, v0  }
0x23: {  	[tilespmem:v2+s4+$0x0] =	vst.idx.msk $0xffff, v0  }
0x24: {  	[tilespmem:v3+s4+$0x0] =	vst.idx.msk $0xffff, v0  }
0x25: {  	[tilespmem:v4+s4+$0x0] =	vst.idx.msk $0xffff, v0;
	v0 =	vlaneseq.u32  }
0x26: {  	[tilespmem:$0x7680] =	vst v0;
	v1 =	vor.u32 $0x10, v0  }
0x27: {  	[tilespmem:$0x7690] =	vst v1;
	v1 =	vor.u32 $0x20, v0  }
0x28: {  	[tilespmem:$0x76A0] =	vst v1;
	v1 =	vor.u32 $0x30, v0  }
0x29: {  	p0 =	sne.s32 s3, $0x0;
	v0 =	vor.u32 $0x40, v0;
	[tilespmem:$0x76B0] =	vst v1  }
0x2a: {  	s3 =	simm.s32 @!p0 $0x4E80;
	[tilespmem:$0x76C0] =	vst v0  }
0x2b: {  	[spmem:s1] =	stream.linear.scatter @!p0 [tilespmem:s3], [sflag:$0x2], $0x2800, $0x38;
	[tilespmem:$0x7980] =	vst v63  }
0x2c: {  	s3 =	simm.s32 @!p0 $0x2  }
0x2d: {  	_ =	swait.ge @!p0 [sflag:s3], $0x2800  }
0x2e: {  	[sflag:s3] =	ssyncset.done @!p0 $0x0  }
0x2f: {  	s31 =	simm.s32 $0x1;
	[sflag:s3] =	ssyncadd.s32 @!p0 $0xFFFFD800  }
0x30: {  	_ =	swait.ge [sflag:s31], $0x4E20  }
0x31: {  	[sflag:s31] =	ssyncset.done $0x0  }
0x32: {  	s5 =	simm.s32 $0x4E80;
	[sflag:s31] =	ssyncadd.s32 $0xFFFFB1E0  }
0x33: {  	s4 =	simm.s32 $0x40;
	v0 =	vimm.f32 $1.000000000e+00;
	s3 =	simm.s32 $0xFFFFFFF8;
	[bflag:$0x0] =	sbarrier.arrive $0xFFFF  }
.LBB2_3:
0x34: {  	v1 =	vld [tilespmem:s4+$0xFFFFFFC0];
	_ =	sdelay $0x7  }
0x35: {  	[tilespmem:v1+s5+$0x0] =	vst.idx.msk $0xffff, v0  }
0x36: {  	v1 =	vld [tilespmem:s4+$0xFFFFFFD0];
	_ =	sdelay $0x7  }
0x37: {  	[tilespmem:v1+s5+$0x0] =	vst.idx.msk $0xffff, v0  }
0x38: {  	v1 =	vld [tilespmem:s4+$0xFFFFFFE0];
	_ =	sdelay $0x7  }
0x39: {  	[tilespmem:v1+s5+$0x0] =	vst.idx.msk $0xffff, v0  }
0x3a: {  	v1 =	vld [tilespmem:s4+$0xFFFFFFF0];
	_ =	sdelay $0x7  }
0x3b: {  	[tilespmem:v1+s5+$0x0] =	vst.idx.msk $0xffff, v0  }
0x3c: {  	v1 =	vld [tilespmem:s4+$0x0];
	_ =	sdelay $0x7  }
0x3d: {  	[tilespmem:v1+s5+$0x0] =	vst.idx.msk $0xffff, v0  }
0x3e: {  	v1 =	vld [tilespmem:s4+$0x10];
	_ =	sdelay $0x7  }
0x3f: {  	[tilespmem:v1+s5+$0x0] =	vst.idx.msk $0xffff, v0  }
0x40: {  	v1 =	vld [tilespmem:s4+$0x20];
	_ =	sdelay $0x7  }
0x41: {  	[tilespmem:v1+s5+$0x0] =	vst.idx.msk $0xffff, v0  }
0x42: {  	v1 =	vld [tilespmem:s4+$0x30];
	_ =	sdelay $0x1  }
0x43: {  	s3 =	sadd.s32 $0x8, s3  }
0x44: {  	p1 =	slt.u32 s3, $0x4D8  }
.Ltmp1:
0x45: {  	_ = 	snop;
	(pc) =	sbr.rel @p1 .LBB2_3-.Ltmp1, $2  }
0x46: {  	_ =	sdelay $0x2  }
0x47: {  	s4 =	sadd.s32 $0x80, s4;
	[tilespmem:v1+s5+$0x0] =	vst.idx.msk $0xffff, v0  }
0x48: {  	v0 =	vld [tilespmem:$0x4E00];
	_ =	sdelay $0x6  }
0x49: {  	v1 =	vimm.f32 $1.000000000e+00;
	s3 =	simm.s32 $0x4E80  }
0x4a: {  	[tilespmem:v0+s3+$0x0] =	vst.idx.msk $0xffff, v1  }
0x4b: {  	v0 =	vld [tilespmem:$0x4E10];
	_ =	sdelay $0x7  }
0x4c: {  	s4 =	simm.s32 $0x50;
	s5 =	simm.s32 $0x7680;
	s31 =	simm.s32 $0x2;
	[tilespmem:v0+s3+$0x0] =	vst.idx.msk $0xffff, v1  }
0x4d: {  	[spmem:s1] =	stream.indirect.scatter.add.f32 [tilespmem:s3], [sflag:$0x2], $0x80, s5, s4, $0xb8;
	[tilespmem:$0x7980] =	vst v63  }
0x4e: {  	_ =	swait.ge [sflag:s31], $0x2800  }
0x4f: {  	[sflag:s31] =	ssyncset.done $0x0  }
0x50: {  	[sflag:s31] =	ssyncadd.s32 $0xFFFFD800  }
0x51: {  	[bflag:$0x0] =	sbarrier.arrive $0xFFFF  }
0x52: {  	_ =	sfence.sel @p0 $0x180000  }
0x53: {  	[bflag:$0x0] =	sbarrier.arrive @p0 $0xFFFF  }
0x54: {  	_ =	strace @p0 $0x90000047  }
0x55: {  	s1 =	sshrl.u32 @!p0 s1, $0x3;
	s3 =	simm.s32 @!p0 $0x1C02;
	[bflag:$0x2] =	sbarrier.arrive @p0 $0xFFFF  }
0x56: {  	[hbm:s2], [sflag:s3] =	dma.local @!p0 [spmem:s1], $0x500  }
0x57: {  	s1 =	simm.s32 @!p0 $0x2  }
0x58: {  	_ =	swait.ge @!p0 [sflag:s1], $0x500  }
0x59: {  	[sflag:s1] =	ssyncset.done @!p0 $0x0  }
0x5a: {  	[sflag:s1] =	ssyncadd.s32 @!p0 $0xFFFFFB00  }
0x5b: {  	_ =	sfence.sel @!p0 $0x180000  }
0x5c: {  	[bflag:$0x0] =	sbarrier.arrive @!p0 $0xFFFF  }
0x5d: {  	_ =	strace @!p0 $0x90000047  }
0x5e: {  	s0 =	sadd.s32 @!p0 $0x100000, s0;
	[bflag:$0x2] =	sbarrier.arrive @!p0 $0xFFFF  }
0x5f: {  	[sflag:s0] =	ssyncadd.tile.s32 @!p0 $0x1;
	_ =	shalt  }
.Lfunc_end2:
_tile_overlayer_lowered:
.L_overlay_start_2:
0x60: {  	(tag) =	ssettag $0x2  }
0x61: {  	s0 =	rddreg [dreg:$0x0];
	s2 =	stileid.u32  }
0x62: {  	s1 =	rddreg [dreg:$0x1];
	p0 =	sne.s32 s2, $0x0  }
0x63: {  	s3 =	rddreg [dreg:$0x2];
	[bflag:$0x3] =	sbarrier.arrive $0xFFFF;
	s2 =	simm.s32 @!p0 $0x1C02  }
0x64: {  	[timem:s3], [sflag:s2] =	dma.local @!p0 [hbm:s0], s1  }
0x65: {  	s0 =	simm.s32 @!p0 $0x2  }
0x66: {  	_ =	swait.ge @!p0 [sflag:s0], s1  }
0x67: {  	s1 =	ssub.s32 @!p0 $0x0, s1;
	[sflag:s0] =	ssyncset.done @!p0 $0x0  }
0x68: {  	[sflag:s0] =	ssyncadd.s32 @!p0 s1  }
0x69: {  	[bflag:$0x3] =	sbarrier.arrive $0xFFFF  }
0x6a: {  	_ =	shalt  }

</sc_bundles>
